<compile_context>
chip_gen: v7x
topology: tpu7x:2x2x1
jax: 0.10.2.dev20260603
libtpu: 0.0.44.dev20260713+nightly
codegen_flags: <defaults>
</compile_context>

<pallas_src>
import functools

import jax
import jax.numpy as jnp
from jax import lax
from jax.experimental import pallas as pl
from jax.experimental.pallas import tpu as pltpu
from jax.experimental.pallas import tpu_sc as plsc

DIS_RATIO = 3.0

_ATAN_COEFFS = (
    0.99999999, -0.33333138, 0.19993694, -0.14211105, 0.10667484,
    -0.07556891, 0.04327812, -0.01641311, 0.00293274,
)
_PI = 3.14159265358979
_HALF_PI = 1.57079632679490


def _atan_pos(t):
    inv = t > 1.0
    z = jnp.where(inv, 1.0 / jnp.maximum(t, 1e-30), t)
    zz = z * z
    p = jnp.float32(_ATAN_COEFFS[-1])
    for c in _ATAN_COEFFS[-2::-1]:
        p = p * zz + jnp.float32(c)
    r = z * p
    return jnp.where(inv, _HALF_PI - r, r)


def _atan2_abs(y, x):
    ax = jnp.abs(x)
    r = _atan_pos(y / ax)
    r = jnp.where(x < 0.0, _PI - r, r)
    return jnp.where((y == 0.0) & (x == 0.0), 0.0, r)


def _roll_p(a, k):
    return jnp.concatenate([a[:, -k:], a[:, :-k]], axis=1)


def _roll_m(a, k):
    return jnp.concatenate([a[:, k:], a[:, :k]], axis=1)


def _direct_change(cx, cy):
    total = None
    for k in (1, 3):
        v1x = cx - _roll_p(cx, k)
        v1y = cy - _roll_p(cy, k)
        v2x = _roll_m(cx, k) - cx
        v2y = _roll_m(cy, k) - cy
        cross = jnp.abs(v1x * v2y - v1y * v2x)
        dot = v1x * v2x + v1y * v2y
        d = _atan2_abs(cross, dot)
        total = d if total is None else total + d
    return total * 0.5


def _tc_kernel(vx_ref, vy_ref, cxr_ref, cyr_ref, mask_ref, par_ref,
               base_ref, wsel_ref, idx_ref, dtab_ref, cx_ref, cy_ref):
    cl = cxr_ref.shape[2]

    dtab_ref[...] = jnp.squeeze(_direct_change(cxr_ref[0], cyr_ref[0]), 0)
    cx_ref[...] = jnp.transpose(cxr_ref[0], (1, 0))
    cy_ref[...] = jnp.transpose(cyr_ref[0], (1, 0))

    cx = cx_ref[...]
    cy = cy_ref[...]
    vx = vx_ref[0]
    vy = vy_ref[0]
    dx = cx - vx
    dy = cy - vy
    d2 = dx * dx + dy * dy
    m = jnp.min(d2, axis=0, keepdims=True)
    srow = jax.lax.broadcasted_iota(jnp.int32, (cl, 1), 0).astype(jnp.float32)
    idxf = jnp.min(jnp.where(d2 == m, srow, jnp.float32(cl)), axis=0,
                   keepdims=True)
    idx_ref[...] = jnp.squeeze(
        idxf.astype(jnp.int32) + pl.program_id(0) * cl, 0)

    vc = jnp.sqrt(m + 1e-12) * jnp.float32(1.0 / DIS_RATIO)
    w0 = par_ref[0, 0]
    w1 = par_ref[0, 1]
    b0 = par_ref[0, 2]
    mask = mask_ref[0]
    base_ref[...] = jnp.squeeze(vc * w0 * mask + b0, 0)
    wsel_ref[...] = jnp.squeeze(w1 * mask, 0)


def _make_sc_gather(total, tab_len, nworkers, lanes):
    chunk = total // nworkers
    mesh = plsc.VectorSubcoreMesh(core_axis_name="c", subcore_axis_name="s")

    @functools.partial(
        pl.kernel, mesh=mesh,
        out_type=jax.ShapeDtypeStruct((total,), jnp.float32),
        scratch_types=[
            pltpu.VMEM((chunk,), jnp.int32),
            pltpu.VMEM((chunk,), jnp.float32),
            pltpu.VMEM((chunk,), jnp.float32),
            pltpu.VMEM((chunk,), jnp.float32),
            pltpu.VMEM((chunk,), jnp.float32),
            pltpu.SemaphoreType.DMA,
        ],
    )
    def sc_gather(dtab_hbm, idx_hbm, base_hbm, wsel_hbm, out_hbm,
                  idx_v, gath_v, base_v, wsel_v, out_v, sem):
        ncores = 2
        wid = lax.axis_index("s") * ncores + lax.axis_index("c")
        start = wid * chunk
        pltpu.sync_copy(idx_hbm.at[pl.ds(start, chunk)], idx_v)
        pltpu.async_copy(dtab_hbm.at[idx_v], gath_v, sem).wait()
        pltpu.sync_copy(base_hbm.at[pl.ds(start, chunk)], base_v)
        pltpu.sync_copy(wsel_hbm.at[pl.ds(start, chunk)], wsel_v)

        def body(i, carry):
            sl = pl.ds(i * lanes, lanes)
            out_v[sl] = base_v[sl] + gath_v[sl] * wsel_v[sl]
            return carry

        lax.fori_loop(0, chunk // lanes, body, 0)
        pltpu.sync_copy(out_v, out_hbm.at[pl.ds(start, chunk)])

    return sc_gather


def _run_group(vx, vy, cxr, cyr, mask, params):
    bsz, _, n = vx.shape
    cl = cxr.shape[2]
    base, wsel, idx, dtab = pl.pallas_call(
        _tc_kernel,
        grid=(bsz,),
        in_specs=[
            pl.BlockSpec((1, 1, n), lambda i: (i, 0, 0)),
            pl.BlockSpec((1, 1, n), lambda i: (i, 0, 0)),
            pl.BlockSpec((1, 1, cl), lambda i: (i, 0, 0)),
            pl.BlockSpec((1, 1, cl), lambda i: (i, 0, 0)),
            pl.BlockSpec((1, 1, n), lambda i: (i, 0, 0)),
            pl.BlockSpec(memory_space=pltpu.SMEM),
        ],
        out_specs=[
            pl.BlockSpec((n,), lambda i: (i,)),
            pl.BlockSpec((n,), lambda i: (i,)),
            pl.BlockSpec((n,), lambda i: (i,)),
            pl.BlockSpec((cl,), lambda i: (i,)),
        ],
        out_shape=[
            jax.ShapeDtypeStruct((bsz * n,), jnp.float32),
            jax.ShapeDtypeStruct((bsz * n,), jnp.float32),
            jax.ShapeDtypeStruct((bsz * n,), jnp.int32),
            jax.ShapeDtypeStruct((bsz * cl,), jnp.float32),
        ],
        scratch_shapes=[
            pltpu.VMEM((cl, 1), jnp.float32),
            pltpu.VMEM((cl, 1), jnp.float32),
        ],
        compiler_params=pltpu.CompilerParams(
            dimension_semantics=("arbitrary",),
        ),
    )(vx, vy, cxr, cyr, mask, params)

    total = bsz * n
    sc_gather = _make_sc_gather(total, bsz * cl, 32, 16)
    out = sc_gather(dtab, idx, base, wsel)
    return out.reshape(bsz, n)


@jax.jit
def kernel(vertices, valid_mask, contour, seg_logit, W, b):
    del seg_logit
    bsz, n, _ = vertices.shape
    cl = contour.shape[1]
    vx = vertices[..., 0].reshape(bsz, 1, n)
    vy = vertices[..., 1].reshape(bsz, 1, n)
    cxr = contour[..., 0].reshape(bsz, 1, cl)
    cyr = contour[..., 1].reshape(bsz, 1, cl)
    mask = valid_mask.reshape(bsz, 1, n)
    params = jnp.concatenate([W.reshape(-1), b.reshape(-1)]).reshape(1, 3)
    return _run_group(vx, vy, cxr, cyr, mask, params)

# --- scband reference (transcript-rebuilt; emitter-appended) ---
"""Pipeline reference for scband-srvfc-77481210020622 (READ-ONLY COPY).

The authoritative reference and input builder live on the scoring server;
editing this copy changes nothing except your own understanding.
"""

import jax, jax.numpy as jnp
import numpy as np

B, N, C, IMG = 16, 2048, 1024, 512
DIS_RATIO = 3.0


def setup_inputs(seed: int = 0) -> dict:
    key = jax.random.key(seed)
    k1, k2, k3 = jax.random.split(key, 3)
    vertices = jax.random.uniform(k1, (B, N, 2), dtype=jnp.float32) * IMG
    valid_mask = jnp.ones((B, N), dtype=jnp.float32)
    # contour points (stand-in for cv2.findContours output, subsampled by sample_interval)
    contour = jax.random.uniform(k2, (B, C, 2), dtype=jnp.float32) * IMG
    seg_logit = jax.random.normal(k3, (B, IMG, IMG), dtype=jnp.float32)
    # output_proj Linear(2, 1) with the hard-coded init from __init__
    W = jnp.array([[-0.5, 0.5]], dtype=jnp.float32)
    b = jnp.zeros((1,), dtype=jnp.float32)
    return {"vertices": vertices, "valid_mask": valid_mask, "contour": contour,
            "seg_logit": seg_logit, "W": W, "b": b}


def _shape_features(vertices, valid_mask, contour):
    # cdist(contour, Vinit): [B, C, N]
    diff = contour[:, :, None, :] - vertices[:, None, :, :]
    dist = jnp.sqrt(jnp.sum(diff * diff, axis=-1) + 1e-12)
    # nearest contour point for each vertex (retrieval / 1-NN)
    Cmatch = jnp.argmin(dist, axis=1)  # [B, N] int
    Clen = contour.shape[1]

    def cal_diff(k):
        idx_p = jnp.repeat(Cmatch[..., None], 2, axis=-1)          # [B, N, 2]
        idx_f = jnp.repeat(((Cmatch - k) % Clen)[..., None], 2, axis=-1)
        idx_b = jnp.repeat(((Cmatch + k) % Clen)[..., None], 2, axis=-1)
        p = jnp.take_along_axis(contour, idx_p, axis=1)
        pf = jnp.take_along_axis(contour, idx_f, axis=1)
        pb = jnp.take_along_axis(contour, idx_b, axis=1)
        vec1 = p - pf
        vec2 = pb - p
        a1 = jnp.arctan2(vec1[..., 1], vec1[..., 0])
        a2 = jnp.arctan2(vec2[..., 1], vec2[..., 0])
        d = a2 - a1
        return jnp.abs(jnp.arctan2(jnp.sin(d), jnp.cos(d)))

    direct_change = (cal_diff(1) + cal_diff(3)) / 2.0  # [B, N]
    # dist[Cmatch[b, n], n] per batch
    vc_dis = jnp.take_along_axis(dist, Cmatch[:, None, :], axis=1)[:, 0, :] / DIS_RATIO
    feats = jnp.stack([vc_dis, direct_change], axis=-1)  # [B, N, 2]
    # invalid (padding) vertices get zero features, as in the torch code
    feats = feats * valid_mask[..., None]
    return feats


def reference(vertices, valid_mask, contour, seg_logit, W, b):
    # seg_logit -> contour extraction is done by cv2 in the torch module; here the
    # subsampled contour is materialized directly as an input (same downstream math).
    feats = _shape_features(vertices, valid_mask, contour)
    x = feats @ W.T + b  # output_proj: Linear(2, 1)
    return jnp.squeeze(x, -1)  # [B, N]

if __name__ == "__main__":
    import jax
    _d = setup_inputs()
    print(jax.jit(kernel)(*tuple(_d.values())))

</pallas_src>

<mosaic_0001>
#map = affine_map<(d0, d1) -> (0)>
module attributes {stable_mosaic.version = 14 : i64} {
  func.func @sc_gather(%arg0: i32, %arg1: i32, %arg2: memref<16384xf32, #tpu.memory_space<hbm>>, %arg3: memref<32768xi32, #tpu.memory_space<hbm>>, %arg4: memref<32768xf32, #tpu.memory_space<hbm>>, %arg5: memref<32768xf32, #tpu.memory_space<hbm>>, %arg6: memref<32768xf32, #tpu.memory_space<hbm>>, %arg7: memref<1024xi32, #tpu.memory_space<vmem>>, %arg8: memref<1024xf32, #tpu.memory_space<vmem>>, %arg9: memref<1024xf32, #tpu.memory_space<vmem>>, %arg10: memref<1024xf32, #tpu.memory_space<vmem>>, %arg11: memref<1024xf32, #tpu.memory_space<vmem>>, %arg12: memref<!tpu.dma_semaphore, #tpu.memory_space<semaphore_mem>>) attributes {dimension_semantics = [#tpu.dimension_semantics<core_parallel>, #tpu.dimension_semantics<subcore_parallel>], iteration_bounds = array<i64: 2, 16>, scalar_prefetch = 0 : i64, scratch_operands = 6 : i64, tpu.core_type = #tpu.core_type<sc_vector_subcore>, window_params = [{transform_indices = #map}, {transform_indices = #map}, {transform_indices = #map}, {transform_indices = #map}, {transform_indices = #map}]} {
    %mul3A = arith.constant 2 : i32
    %mul3A_0 = arith.muli %arg1, %mul3A : i32
    %add3A = arith.addi %mul3A_0, %arg0 : i32
    %mul3A_1 = arith.constant 1024 : i32
    %mul3A_2 = arith.muli %add3A, %mul3A_1 : i32
    "tpu.region"() ({
      %run_scoped3A = tpu.sem_alloc : memref<!tpu.dma_semaphore, #tpu.memory_space<semaphore_mem>>
      %dma_start3A_10 = tpu.memref_slice %arg3[%mul3A_2] : memref<32768xi32, #tpu.memory_space<hbm>> -> memref<1024xi32, #tpu.memory_space<hbm>>
      %dma_start3A_11 = tpu.memref_slice %arg3[%mul3A_2] : memref<32768xi32, #tpu.memory_space<hbm>> -> memref<1024xi32, #tpu.memory_space<hbm>>
      tpu.enqueue_dma source(%dma_start3A_11 : memref<1024xi32, #tpu.memory_space<hbm>>) target(%arg7 : memref<1024xi32, #tpu.memory_space<vmem>>) target_semaphore(%run_scoped3A : memref<!tpu.dma_semaphore, #tpu.memory_space<semaphore_mem>>)
      %dma_wait3A_12 = tpu.memref_slice %arg3[%mul3A_2] : memref<32768xi32, #tpu.memory_space<hbm>> -> memref<1024xi32, #tpu.memory_space<hbm>>
      %dma_wait3A_13 = tpu.memref_slice %arg3[%mul3A_2] : memref<32768xi32, #tpu.memory_space<hbm>> -> memref<1024xi32, #tpu.memory_space<hbm>>
      tpu.wait_dma2 semaphore(%run_scoped3A : memref<!tpu.dma_semaphore, #tpu.memory_space<semaphore_mem>>) src(%dma_wait3A_13 : memref<1024xi32, #tpu.memory_space<hbm>>) dst(%arg7 : memref<1024xi32, #tpu.memory_space<vmem>>)
      tpu.yield
    }) : () -> ()
    %dma_start3A = arith.constant 0 : i32
    %dma_start3A_3 = tpu.memref_slice %arg2[%dma_start3A] : memref<16384xf32, #tpu.memory_space<hbm>> -> memref<16384xf32, #tpu.memory_space<hbm>>
    tpu.enqueue_indirect_dma source(%dma_start3A_3 : memref<16384xf32, #tpu.memory_space<hbm>>) target(%arg8 : memref<1024xf32, #tpu.memory_space<vmem>>) offsets(%arg7 : memref<1024xi32, #tpu.memory_space<vmem>>) semaphore(%arg12 : memref<!tpu.dma_semaphore, #tpu.memory_space<semaphore_mem>>)
    %dma_wait3A = arith.constant 0 : i32
    %dma_wait3A_4 = tpu.memref_slice %arg2[%dma_wait3A] : memref<16384xf32, #tpu.memory_space<hbm>> -> memref<16384xf32, #tpu.memory_space<hbm>>
    tpu.wait_indirect_dma semaphore(%arg12 : memref<!tpu.dma_semaphore, #tpu.memory_space<semaphore_mem>>) src(%dma_wait3A_4 : memref<16384xf32, #tpu.memory_space<hbm>>) dst(%arg8 : memref<1024xf32, #tpu.memory_space<vmem>>)
    "tpu.region"() ({
      %run_scoped3A = tpu.sem_alloc : memref<!tpu.dma_semaphore, #tpu.memory_space<semaphore_mem>>
      %dma_start3A_10 = tpu.memref_slice %arg4[%mul3A_2] : memref<32768xf32, #tpu.memory_space<hbm>> -> memref<1024xf32, #tpu.memory_space<hbm>>
      %dma_start3A_11 = tpu.memref_slice %arg4[%mul3A_2] : memref<32768xf32, #tpu.memory_space<hbm>> -> memref<1024xf32, #tpu.memory_space<hbm>>
      tpu.enqueue_dma source(%dma_start3A_11 : memref<1024xf32, #tpu.memory_space<hbm>>) target(%arg9 : memref<1024xf32, #tpu.memory_space<vmem>>) target_semaphore(%run_scoped3A : memref<!tpu.dma_semaphore, #tpu.memory_space<semaphore_mem>>)
      %dma_wait3A_12 = tpu.memref_slice %arg4[%mul3A_2] : memref<32768xf32, #tpu.memory_space<hbm>> -> memref<1024xf32, #tpu.memory_space<hbm>>
      %dma_wait3A_13 = tpu.memref_slice %arg4[%mul3A_2] : memref<32768xf32, #tpu.memory_space<hbm>> -> memref<1024xf32, #tpu.memory_space<hbm>>
      tpu.wait_dma2 semaphore(%run_scoped3A : memref<!tpu.dma_semaphore, #tpu.memory_space<semaphore_mem>>) src(%dma_wait3A_13 : memref<1024xf32, #tpu.memory_space<hbm>>) dst(%arg9 : memref<1024xf32, #tpu.memory_space<vmem>>)
      tpu.yield
    }) : () -> ()
    "tpu.region"() ({
      %run_scoped3A = tpu.sem_alloc : memref<!tpu.dma_semaphore, #tpu.memory_space<semaphore_mem>>
      %dma_start3A_10 = tpu.memref_slice %arg5[%mul3A_2] : memref<32768xf32, #tpu.memory_space<hbm>> -> memref<1024xf32, #tpu.memory_space<hbm>>
      %dma_start3A_11 = tpu.memref_slice %arg5[%mul3A_2] : memref<32768xf32, #tpu.memory_space<hbm>> -> memref<1024xf32, #tpu.memory_space<hbm>>
      tpu.enqueue_dma source(%dma_start3A_11 : memref<1024xf32, #tpu.memory_space<hbm>>) target(%arg10 : memref<1024xf32, #tpu.memory_space<vmem>>) target_semaphore(%run_scoped3A : memref<!tpu.dma_semaphore, #tpu.memory_space<semaphore_mem>>)
      %dma_wait3A_12 = tpu.memref_slice %arg5[%mul3A_2] : memref<32768xf32, #tpu.memory_space<hbm>> -> memref<1024xf32, #tpu.memory_space<hbm>>
      %dma_wait3A_13 = tpu.memref_slice %arg5[%mul3A_2] : memref<32768xf32, #tpu.memory_space<hbm>> -> memref<1024xf32, #tpu.memory_space<hbm>>
      tpu.wait_dma2 semaphore(%run_scoped3A : memref<!tpu.dma_semaphore, #tpu.memory_space<semaphore_mem>>) src(%dma_wait3A_13 : memref<1024xf32, #tpu.memory_space<hbm>>) dst(%arg10 : memref<1024xf32, #tpu.memory_space<vmem>>)
      tpu.yield
    }) : () -> ()
    %scan3A = arith.constant 0 : i32
    %scan3A_5 = arith.constant 0 : i32
    %scan3A_6 = arith.constant 64 : i32
    %scan3A_7 = arith.addi %scan3A_5, %scan3A_6 : i32
    %scan3A_8 = arith.constant 1 : i32
    scf.for %scan3A_10 = %scan3A_5 to %scan3A_7 step %scan3A_8  : i32 {
      %mul3A_11 = arith.constant 16 : i32
      %mul3A_12 = arith.muli %scan3A_10, %mul3A_11 : i32
      %get3A = arith.index_cast %mul3A_12 : i32 to index
      %get3A_13 = tpu.vector_load %arg9[%get3A] {strides = array<i32>} : memref<1024xf32, #tpu.memory_space<vmem>>, vector<16xf32>,
      %get3A_14 = vector.shape_cast %get3A_13 : vector<16xf32> to vector<16xf32>
      %get3A_15 = arith.index_cast %mul3A_12 : i32 to index
      %get3A_16 = tpu.vector_load %arg8[%get3A_15] {strides = array<i32>} : memref<1024xf32, #tpu.memory_space<vmem>>, vector<16xf32>,
      %get3A_17 = vector.shape_cast %get3A_16 : vector<16xf32> to vector<16xf32>
      %get3A_18 = arith.index_cast %mul3A_12 : i32 to index
      %get3A_19 = tpu.vector_load %arg10[%get3A_18] {strides = array<i32>} : memref<1024xf32, #tpu.memory_space<vmem>>, vector<16xf32>,
      %get3A_20 = vector.shape_cast %get3A_19 : vector<16xf32> to vector<16xf32>
      %mul3A_21 = arith.mulf %get3A_17, %get3A_20 : vector<16xf32>
      %add3A_22 = arith.addf %get3A_14, %mul3A_21 : vector<16xf32>
      %swap3A = arith.index_cast %mul3A_12 : i32 to index
      %swap3A_23 = tpu.vector_load %arg11[%swap3A] {strides = array<i32>} : memref<1024xf32, #tpu.memory_space<vmem>>, vector<16xf32>,
      %swap3A_24 = vector.shape_cast %swap3A_23 : vector<16xf32> to vector<16xf32>
      %swap3A_25 = vector.shape_cast %add3A_22 : vector<16xf32> to vector<16xf32>
      tpu.vector_store %arg11[%swap3A], %swap3A_25 {strides = array<i32>} : memref<1024xf32, #tpu.memory_space<vmem>>, vector<16xf32>,
    }
    %scan3A_9 = arith.constant 64 : i32
    "tpu.region"() ({
      %run_scoped3A = tpu.sem_alloc : memref<!tpu.dma_semaphore, #tpu.memory_space<semaphore_mem>>
      %dma_start3A_10 = tpu.memref_slice %arg6[%mul3A_2] : memref<32768xf32, #tpu.memory_space<hbm>> -> memref<1024xf32, #tpu.memory_space<hbm>>
      %dma_start3A_11 = tpu.memref_slice %arg6[%mul3A_2] : memref<32768xf32, #tpu.memory_space<hbm>> -> memref<1024xf32, #tpu.memory_space<hbm>>
      tpu.enqueue_dma source(%arg11 : memref<1024xf32, #tpu.memory_space<vmem>>) target(%dma_start3A_11 : memref<1024xf32, #tpu.memory_space<hbm>>) target_semaphore(%run_scoped3A : memref<!tpu.dma_semaphore, #tpu.memory_space<semaphore_mem>>)
      %dma_wait3A_12 = tpu.memref_slice %arg6[%mul3A_2] : memref<32768xf32, #tpu.memory_space<hbm>> -> memref<1024xf32, #tpu.memory_space<hbm>>
      %dma_wait3A_13 = tpu.memref_slice %arg6[%mul3A_2] : memref<32768xf32, #tpu.memory_space<hbm>> -> memref<1024xf32, #tpu.memory_space<hbm>>
      tpu.wait_dma2 semaphore(%run_scoped3A : memref<!tpu.dma_semaphore, #tpu.memory_space<semaphore_mem>>) src(%arg11 : memref<1024xf32, #tpu.memory_space<vmem>>) dst(%dma_wait3A_13 : memref<1024xf32, #tpu.memory_space<hbm>>)
      tpu.yield
    }) : () -> ()
    return
  }
}

module attributes {stable_mosaic.version = 14 : i64} {
  func.func @_tc_kernel(%arg0: i32, %arg1: memref<1x1x2048xf32, #tpu.memory_space<vmem>>, %arg2: memref<1x1x2048xf32, #tpu.memory_space<vmem>>, %arg3: memref<1x1x1024xf32, #tpu.memory_space<vmem>>, %arg4: memref<1x1x1024xf32, #tpu.memory_space<vmem>>, %arg5: memref<1x1x2048xf32, #tpu.memory_space<vmem>>, %arg6: memref<1x3xf32, #tpu.memory_space<smem>>, %arg7: memref<2048xf32, #tpu.memory_space<vmem>>, %arg8: memref<2048xf32, #tpu.memory_space<vmem>>, %arg9: memref<2048xi32, #tpu.memory_space<vmem>>, %arg10: memref<1024xf32, #tpu.memory_space<vmem>>, %arg11: memref<1024x1xf32, #tpu.memory_space<vmem>>, %arg12: memref<1024x1xf32, #tpu.memory_space<vmem>>) attributes {dimension_semantics = [#tpu.dimension_semantics<arbitrary>], iteration_bounds = array<i64: 16>, scalar_prefetch = 0 : i64, scratch_operands = 2 : i64, tpu.core_type = #tpu.core_type<tc>, window_params = [{transform_indices = @transform_0, window_bounds = array<i64: 1, 1, 2048>}, {transform_indices = @transform_1, window_bounds = array<i64: 1, 1, 2048>}, {transform_indices = @transform_2, window_bounds = array<i64: 1, 1, 1024>}, {transform_indices = @transform_3, window_bounds = array<i64: 1, 1, 1024>}, {transform_indices = @transform_4, window_bounds = array<i64: 1, 1, 2048>}, {transform_indices = @transform_5, window_bounds = array<i64: 1, 3>}, {transform_indices = @transform_6, window_bounds = array<i64: 2048>}, {transform_indices = @transform_7, window_bounds = array<i64: 2048>}, {transform_indices = @transform_8, window_bounds = array<i64: 2048>}, {transform_indices = @transform_9, window_bounds = array<i64: 1024>}]} {
    %get3A = arith.constant 0 : index
    %get3A_0 = arith.constant 0 : index
    %get3A_1 = arith.constant 0 : index
    %get3A_2 = vector.load %arg3[%get3A, %get3A_0, %get3A_1] : memref<1x1x1024xf32, #tpu.memory_space<vmem>>, vector<1x1x1024xf32>
    %get3A_3 = vector.shape_cast %get3A_2 : vector<1x1x1024xf32> to vector<1x1024xf32>
    %get3A_4 = arith.constant 0 : index
    %get3A_5 = arith.constant 0 : index
    %get3A_6 = arith.constant 0 : index
    %get3A_7 = vector.load %arg4[%get3A_4, %get3A_5, %get3A_6] : memref<1x1x1024xf32, #tpu.memory_space<vmem>>, vector<1x1x1024xf32>
    %get3A_8 = vector.shape_cast %get3A_7 : vector<1x1x1024xf32> to vector<1x1024xf32>
    %slice3A = vector.extract_strided_slice %get3A_3 {offsets = [0, 1023], sizes = [1, 1], strides = [1, 1]} : vector<1x1024xf32> to vector<1x1xf32>
    %slice3A_9 = vector.extract_strided_slice %get3A_3 {offsets = [0, 0], sizes = [1, 1023], strides = [1, 1]} : vector<1x1024xf32> to vector<1x1023xf32>
    %concatenate3A = tpu.concatenate %slice3A, %slice3A_9 in 1 : vector<1x1xf32>, vector<1x1023xf32> -> vector<1x1024xf32>
    %sub3A = arith.subf %get3A_3, %concatenate3A : vector<1x1024xf32>
    %slice3A_10 = vector.extract_strided_slice %get3A_8 {offsets = [0, 1023], sizes = [1, 1], strides = [1, 1]} : vector<1x1024xf32> to vector<1x1xf32>
    %slice3A_11 = vector.extract_strided_slice %get3A_8 {offsets = [0, 0], sizes = [1, 1023], strides = [1, 1]} : vector<1x1024xf32> to vector<1x1023xf32>
    %concatenate3A_12 = tpu.concatenate %slice3A_10, %slice3A_11 in 1 : vector<1x1xf32>, vector<1x1023xf32> -> vector<1x1024xf32>
    %sub3A_13 = arith.subf %get3A_8, %concatenate3A_12 : vector<1x1024xf32>
    %slice3A_14 = vector.extract_strided_slice %get3A_3 {offsets = [0, 1], sizes = [1, 1023], strides = [1, 1]} : vector<1x1024xf32> to vector<1x1023xf32>
    %slice3A_15 = vector.extract_strided_slice %get3A_3 {offsets = [0, 0], sizes = [1, 1], strides = [1, 1]} : vector<1x1024xf32> to vector<1x1xf32>
    %concatenate3A_16 = tpu.concatenate %slice3A_14, %slice3A_15 in 1 : vector<1x1023xf32>, vector<1x1xf32> -> vector<1x1024xf32>
    %sub3A_17 = arith.subf %concatenate3A_16, %get3A_3 : vector<1x1024xf32>
    %slice3A_18 = vector.extract_strided_slice %get3A_8 {offsets = [0, 1], sizes = [1, 1023], strides = [1, 1]} : vector<1x1024xf32> to vector<1x1023xf32>
    %slice3A_19 = vector.extract_strided_slice %get3A_8 {offsets = [0, 0], sizes = [1, 1], strides = [1, 1]} : vector<1x1024xf32> to vector<1x1xf32>
    %concatenate3A_20 = tpu.concatenate %slice3A_18, %slice3A_19 in 1 : vector<1x1023xf32>, vector<1x1xf32> -> vector<1x1024xf32>
    %sub3A_21 = arith.subf %concatenate3A_20, %get3A_8 : vector<1x1024xf32>
    %mul3A = arith.mulf %sub3A, %sub3A_21 : vector<1x1024xf32>
    %mul3A_22 = arith.mulf %sub3A_13, %sub3A_17 : vector<1x1024xf32>
    %sub3A_23 = arith.subf %mul3A, %mul3A_22 : vector<1x1024xf32>
    %abs3A = math.absf %sub3A_23 : vector<1x1024xf32>
    %mul3A_24 = arith.mulf %sub3A, %sub3A_17 : vector<1x1024xf32>
    %mul3A_25 = arith.mulf %sub3A_13, %sub3A_21 : vector<1x1024xf32>
    %add3A = arith.addf %mul3A_24, %mul3A_25 : vector<1x1024xf32>
    %abs3A_26 = math.absf %add3A : vector<1x1024xf32>
    %div3A = arith.divf %abs3A, %abs3A_26 : vector<1x1024xf32>
    %gt3A = arith.constant 1.000000e+00 : f32
    %gt3A_27 = vector.broadcast %gt3A : f32 to vector<1x1024xf32>
    %gt3A_28 = arith.cmpf ogt, %div3A, %gt3A_27 : vector<1x1024xf32>
    %max3A = arith.constant 1.000000e-30 : f32
    %max3A_29 = vector.broadcast %max3A : f32 to vector<1x1024xf32>
    %max3A_30 = arith.maximumf %div3A, %max3A_29 : vector<1x1024xf32>
    %div3A_31 = arith.constant 1.000000e+00 : f32
    %div3A_32 = vector.broadcast %div3A_31 : f32 to vector<1x1024xf32>
    %div3A_33 = arith.divf %div3A_32, %max3A_30 : vector<1x1024xf32>
    %select_n3A = arith.select %gt3A_28, %div3A_33, %div3A : vector<1x1024xi1>, vector<1x1024xf32>
    %mul3A_34 = arith.mulf %select_n3A, %select_n3A : vector<1x1024xf32>
    %mul3A_35 = arith.constant 2.932740e-03 : f32
    %mul3A_36 = vector.broadcast %mul3A_35 : f32 to vector<1x1024xf32>
    %mul3A_37 = arith.mulf %mul3A_36, %mul3A_34 : vector<1x1024xf32>
    %add3A_38 = arith.constant -0.0164131094 : f32
    %add3A_39 = vector.broadcast %add3A_38 : f32 to vector<1x1024xf32>
    %add3A_40 = arith.addf %mul3A_37, %add3A_39 : vector<1x1024xf32>
    %mul3A_41 = arith.mulf %add3A_40, %mul3A_34 : vector<1x1024xf32>
    %add3A_42 = arith.constant 0.0432781205 : f32
    %add3A_43 = vector.broadcast %add3A_42 : f32 to vector<1x1024xf32>
    %add3A_44 = arith.addf %mul3A_41, %add3A_43 : vector<1x1024xf32>
    %mul3A_45 = arith.mulf %add3A_44, %mul3A_34 : vector<1x1024xf32>
    %add3A_46 = arith.constant -0.075568907 : f32
    %add3A_47 = vector.broadcast %add3A_46 : f32 to vector<1x1024xf32>
    %add3A_48 = arith.addf %mul3A_45, %add3A_47 : vector<1x1024xf32>
    %mul3A_49 = arith.mulf %add3A_48, %mul3A_34 : vector<1x1024xf32>
    %add3A_50 = arith.constant 0.106674843 : f32
    %add3A_51 = vector.broadcast %add3A_50 : f32 to vector<1x1024xf32>
    %add3A_52 = arith.addf %mul3A_49, %add3A_51 : vector<1x1024xf32>
    %mul3A_53 = arith.mulf %add3A_52, %mul3A_34 : vector<1x1024xf32>
    %add3A_54 = arith.constant -0.142111048 : f32
    %add3A_55 = vector.broadcast %add3A_54 : f32 to vector<1x1024xf32>
    %add3A_56 = arith.addf %mul3A_53, %add3A_55 : vector<1x1024xf32>
    %mul3A_57 = arith.mulf %add3A_56, %mul3A_34 : vector<1x1024xf32>
    %add3A_58 = arith.constant 0.199936941 : f32
    %add3A_59 = vector.broadcast %add3A_58 : f32 to vector<1x1024xf32>
    %add3A_60 = arith.addf %mul3A_57, %add3A_59 : vector<1x1024xf32>
    %mul3A_61 = arith.mulf %add3A_60, %mul3A_34 : vector<1x1024xf32>
    %add3A_62 = arith.constant -0.333331376 : f32
    %add3A_63 = vector.broadcast %add3A_62 : f32 to vector<1x1024xf32>
    %add3A_64 = arith.addf %mul3A_61, %add3A_63 : vector<1x1024xf32>
    %mul3A_65 = arith.mulf %add3A_64, %mul3A_34 : vector<1x1024xf32>
    %add3A_66 = arith.constant 1.000000e+00 : f32
    %add3A_67 = vector.broadcast %add3A_66 : f32 to vector<1x1024xf32>
    %add3A_68 = arith.addf %mul3A_65, %add3A_67 : vector<1x1024xf32>
    %mul3A_69 = arith.mulf %select_n3A, %add3A_68 : vector<1x1024xf32>
    %sub3A_70 = arith.constant 1.57079637 : f32
    %sub3A_71 = vector.broadcast %sub3A_70 : f32 to vector<1x1024xf32>
    %sub3A_72 = arith.subf %sub3A_71, %mul3A_69 : vector<1x1024xf32>
    %select_n3A_73 = arith.select %gt3A_28, %sub3A_72, %mul3A_69 : vector<1x1024xi1>, vector<1x1024xf32>
    %lt3A = arith.constant 0.000000e+00 : f32
    %lt3A_74 = vector.broadcast %lt3A : f32 to vector<1x1024xf32>
    %lt3A_75 = arith.cmpf olt, %add3A, %lt3A_74 : vector<1x1024xf32>
    %sub3A_76 = arith.constant 3.14159274 : f32
    %sub3A_77 = vector.broadcast %sub3A_76 : f32 to vector<1x1024xf32>
    %sub3A_78 = arith.subf %sub3A_77, %select_n3A_73 : vector<1x1024xf32>
    %select_n3A_79 = arith.select %lt3A_75, %sub3A_78, %select_n3A_73 : vector<1x1024xi1>, vector<1x1024xf32>
    %eq3A = arith.constant 0.000000e+00 : f32
    %eq3A_80 = vector.broadcast %eq3A : f32 to vector<1x1024xf32>
    %eq3A_81 = arith.cmpf oeq, %abs3A, %eq3A_80 : vector<1x1024xf32>
    %eq3A_82 = arith.constant 0.000000e+00 : f32
    %eq3A_83 = vector.broadcast %eq3A_82 : f32 to vector<1x1024xf32>
    %eq3A_84 = arith.cmpf oeq, %add3A, %eq3A_83 : vector<1x1024xf32>
    %and3A = arith.andi %eq3A_81, %eq3A_84 : vector<1x1024xi1>
    %jit3A = arith.constant 0.000000e+00 : f32
    %broadcast_in_dim3A = vector.broadcast %jit3A : f32 to vector<1x1024xf32>
    %select_n3A_85 = arith.select %and3A, %broadcast_in_dim3A, %select_n3A_79 : vector<1x1024xi1>, vector<1x1024xf32>
    %slice3A_86 = vector.extract_strided_slice %get3A_3 {offsets = [0, 1021], sizes = [1, 3], strides = [1, 1]} : vector<1x1024xf32> to vector<1x3xf32>
    %slice3A_87 = vector.extract_strided_slice %get3A_3 {offsets = [0, 0], sizes = [1, 1021], strides = [1, 1]} : vector<1x1024xf32> to vector<1x1021xf32>
    %concatenate3A_88 = tpu.concatenate %slice3A_86, %slice3A_87 in 1 : vector<1x3xf32>, vector<1x1021xf32> -> vector<1x1024xf32>
    %sub3A_89 = arith.subf %get3A_3, %concatenate3A_88 : vector<1x1024xf32>
    %slice3A_90 = vector.extract_strided_slice %get3A_8 {offsets = [0, 1021], sizes = [1, 3], strides = [1, 1]} : vector<1x1024xf32> to vector<1x3xf32>
    %slice3A_91 = vector.extract_strided_slice %get3A_8 {offsets = [0, 0], sizes = [1, 1021], strides = [1, 1]} : vector<1x1024xf32> to vector<1x1021xf32>
    %concatenate3A_92 = tpu.concatenate %slice3A_90, %slice3A_91 in 1 : vector<1x3xf32>, vector<1x1021xf32> -> vector<1x1024xf32>
    %sub3A_93 = arith.subf %get3A_8, %concatenate3A_92 : vector<1x1024xf32>
    %slice3A_94 = vector.extract_strided_slice %get3A_3 {offsets = [0, 3], sizes = [1, 1021], strides = [1, 1]} : vector<1x1024xf32> to vector<1x1021xf32>
    %slice3A_95 = vector.extract_strided_slice %get3A_3 {offsets = [0, 0], sizes = [1, 3], strides = [1, 1]} : vector<1x1024xf32> to vector<1x3xf32>
    %concatenate3A_96 = tpu.concatenate %slice3A_94, %slice3A_95 in 1 : vector<1x1021xf32>, vector<1x3xf32> -> vector<1x1024xf32>
    %sub3A_97 = arith.subf %concatenate3A_96, %get3A_3 : vector<1x1024xf32>
    %slice3A_98 = vector.extract_strided_slice %get3A_8 {offsets = [0, 3], sizes = [1, 1021], strides = [1, 1]} : vector<1x1024xf32> to vector<1x1021xf32>
    %slice3A_99 = vector.extract_strided_slice %get3A_8 {offsets = [0, 0], sizes = [1, 3], strides = [1, 1]} : vector<1x1024xf32> to vector<1x3xf32>
    %concatenate3A_100 = tpu.concatenate %slice3A_98, %slice3A_99 in 1 : vector<1x1021xf32>, vector<1x3xf32> -> vector<1x1024xf32>
    %sub3A_101 = arith.subf %concatenate3A_100, %get3A_8 : vector<1x1024xf32>
    %mul3A_102 = arith.mulf %sub3A_89, %sub3A_101 : vector<1x1024xf32>
    %mul3A_103 = arith.mulf %sub3A_93, %sub3A_97 : vector<1x1024xf32>
    %sub3A_104 = arith.subf %mul3A_102, %mul3A_103 : vector<1x1024xf32>
    %abs3A_105 = math.absf %sub3A_104 : vector<1x1024xf32>
    %mul3A_106 = arith.mulf %sub3A_89, %sub3A_97 : vector<1x1024xf32>
    %mul3A_107 = arith.mulf %sub3A_93, %sub3A_101 : vector<1x1024xf32>
    %add3A_108 = arith.addf %mul3A_106, %mul3A_107 : vector<1x1024xf32>
    %abs3A_109 = math.absf %add3A_108 : vector<1x1024xf32>
    %div3A_110 = arith.divf %abs3A_105, %abs3A_109 : vector<1x1024xf32>
    %gt3A_111 = arith.constant 1.000000e+00 : f32
    %gt3A_112 = vector.broadcast %gt3A_111 : f32 to vector<1x1024xf32>
    %gt3A_113 = arith.cmpf ogt, %div3A_110, %gt3A_112 : vector<1x1024xf32>
    %max3A_114 = arith.constant 1.000000e-30 : f32
    %max3A_115 = vector.broadcast %max3A_114 : f32 to vector<1x1024xf32>
    %max3A_116 = arith.maximumf %div3A_110, %max3A_115 : vector<1x1024xf32>
    %div3A_117 = arith.constant 1.000000e+00 : f32
    %div3A_118 = vector.broadcast %div3A_117 : f32 to vector<1x1024xf32>
    %div3A_119 = arith.divf %div3A_118, %max3A_116 : vector<1x1024xf32>
    %select_n3A_120 = arith.select %gt3A_113, %div3A_119, %div3A_110 : vector<1x1024xi1>, vector<1x1024xf32>
    %mul3A_121 = arith.mulf %select_n3A_120, %select_n3A_120 : vector<1x1024xf32>
    %mul3A_122 = arith.constant 2.932740e-03 : f32
    %mul3A_123 = vector.broadcast %mul3A_122 : f32 to vector<1x1024xf32>
    %mul3A_124 = arith.mulf %mul3A_123, %mul3A_121 : vector<1x1024xf32>
    %add3A_125 = arith.constant -0.0164131094 : f32
    %add3A_126 = vector.broadcast %add3A_125 : f32 to vector<1x1024xf32>
    %add3A_127 = arith.addf %mul3A_124, %add3A_126 : vector<1x1024xf32>
    %mul3A_128 = arith.mulf %add3A_127, %mul3A_121 : vector<1x1024xf32>
    %add3A_129 = arith.constant 0.0432781205 : f32
    %add3A_130 = vector.broadcast %add3A_129 : f32 to vector<1x1024xf32>
    %add3A_131 = arith.addf %mul3A_128, %add3A_130 : vector<1x1024xf32>
    %mul3A_132 = arith.mulf %add3A_131, %mul3A_121 : vector<1x1024xf32>
    %add3A_133 = arith.constant -0.075568907 : f32
    %add3A_134 = vector.broadcast %add3A_133 : f32 to vector<1x1024xf32>
    %add3A_135 = arith.addf %mul3A_132, %add3A_134 : vector<1x1024xf32>
    %mul3A_136 = arith.mulf %add3A_135, %mul3A_121 : vector<1x1024xf32>
    %add3A_137 = arith.constant 0.106674843 : f32
    %add3A_138 = vector.broadcast %add3A_137 : f32 to vector<1x1024xf32>
    %add3A_139 = arith.addf %mul3A_136, %add3A_138 : vector<1x1024xf32>
    %mul3A_140 = arith.mulf %add3A_139, %mul3A_121 : vector<1x1024xf32>
    %add3A_141 = arith.constant -0.142111048 : f32
    %add3A_142 = vector.broadcast %add3A_141 : f32 to vector<1x1024xf32>
    %add3A_143 = arith.addf %mul3A_140, %add3A_142 : vector<1x1024xf32>
    %mul3A_144 = arith.mulf %add3A_143, %mul3A_121 : vector<1x1024xf32>
    %add3A_145 = arith.constant 0.199936941 : f32
    %add3A_146 = vector.broadcast %add3A_145 : f32 to vector<1x1024xf32>
    %add3A_147 = arith.addf %mul3A_144, %add3A_146 : vector<1x1024xf32>
    %mul3A_148 = arith.mulf %add3A_147, %mul3A_121 : vector<1x1024xf32>
    %add3A_149 = arith.constant -0.333331376 : f32
    %add3A_150 = vector.broadcast %add3A_149 : f32 to vector<1x1024xf32>
    %add3A_151 = arith.addf %mul3A_148, %add3A_150 : vector<1x1024xf32>
    %mul3A_152 = arith.mulf %add3A_151, %mul3A_121 : vector<1x1024xf32>
    %add3A_153 = arith.constant 1.000000e+00 : f32
    %add3A_154 = vector.broadcast %add3A_153 : f32 to vector<1x1024xf32>
    %add3A_155 = arith.addf %mul3A_152, %add3A_154 : vector<1x1024xf32>
    %mul3A_156 = arith.mulf %select_n3A_120, %add3A_155 : vector<1x1024xf32>
    %sub3A_157 = arith.constant 1.57079637 : f32
    %sub3A_158 = vector.broadcast %sub3A_157 : f32 to vector<1x1024xf32>
    %sub3A_159 = arith.subf %sub3A_158, %mul3A_156 : vector<1x1024xf32>
    %select_n3A_160 = arith.select %gt3A_113, %sub3A_159, %mul3A_156 : vector<1x1024xi1>, vector<1x1024xf32>
    %lt3A_161 = arith.constant 0.000000e+00 : f32
    %lt3A_162 = vector.broadcast %lt3A_161 : f32 to vector<1x1024xf32>
    %lt3A_163 = arith.cmpf olt, %add3A_108, %lt3A_162 : vector<1x1024xf32>
    %sub3A_164 = arith.constant 3.14159274 : f32
    %sub3A_165 = vector.broadcast %sub3A_164 : f32 to vector<1x1024xf32>
    %sub3A_166 = arith.subf %sub3A_165, %select_n3A_160 : vector<1x1024xf32>
    %select_n3A_167 = arith.select %lt3A_163, %sub3A_166, %select_n3A_160 : vector<1x1024xi1>, vector<1x1024xf32>
    %eq3A_168 = arith.constant 0.000000e+00 : f32
    %eq3A_169 = vector.broadcast %eq3A_168 : f32 to vector<1x1024xf32>
    %eq3A_170 = arith.cmpf oeq, %abs3A_105, %eq3A_169 : vector<1x1024xf32>
    %eq3A_171 = arith.constant 0.000000e+00 : f32
    %eq3A_172 = vector.broadcast %eq3A_171 : f32 to vector<1x1024xf32>
    %eq3A_173 = arith.cmpf oeq, %add3A_108, %eq3A_172 : vector<1x1024xf32>
    %and3A_174 = arith.andi %eq3A_170, %eq3A_173 : vector<1x1024xi1>
    %jit3A_175 = arith.constant 0.000000e+00 : f32
    %broadcast_in_dim3A_176 = vector.broadcast %jit3A_175 : f32 to vector<1x1024xf32>
    %select_n3A_177 = arith.select %and3A_174, %broadcast_in_dim3A_176, %select_n3A_167 : vector<1x1024xi1>, vector<1x1024xf32>
    %add3A_178 = arith.addf %select_n3A_85, %select_n3A_177 : vector<1x1024xf32>
    %mul3A_179 = arith.constant 5.000000e-01 : f32
    %mul3A_180 = vector.broadcast %mul3A_179 : f32 to vector<1x1024xf32>
    %mul3A_181 = arith.mulf %add3A_178, %mul3A_180 : vector<1x1024xf32>
    %squeeze3A = vector.shape_cast %mul3A_181 : vector<1x1024xf32> to vector<1024xf32>
    %swap3A = arith.constant 0 : index
    %swap3A_182 = vector.load %arg10[%swap3A] : memref<1024xf32, #tpu.memory_space<vmem>>, vector<1024xf32>
    tpu.vector_store %arg10[%swap3A], %squeeze3A {strides = array<i32>} : memref<1024xf32, #tpu.memory_space<vmem>>, vector<1024xf32>,
    %get3A_183 = arith.constant 0 : index
    %get3A_184 = arith.constant 0 : index
    %get3A_185 = arith.constant 0 : index
    %get3A_186 = vector.load %arg3[%get3A_183, %get3A_184, %get3A_185] : memref<1x1x1024xf32, #tpu.memory_space<vmem>>, vector<1x1x1024xf32>
    %get3A_187 = vector.shape_cast %get3A_186 : vector<1x1x1024xf32> to vector<1x1024xf32>
    %transpose3A = tpu.transpose %get3A_187, [1, 0] : vector<1x1024xf32> -> vector<1024x1xf32>
    %swap3A_188 = arith.constant 0 : index
    %swap3A_189 = arith.constant 0 : index
    %swap3A_190 = vector.load %arg11[%swap3A_188, %swap3A_189] : memref<1024x1xf32, #tpu.memory_space<vmem>>, vector<1024x1xf32>
    tpu.vector_store %arg11[%swap3A_188, %swap3A_189], %transpose3A {strides = array<i32>} : memref<1024x1xf32, #tpu.memory_space<vmem>>, vector<1024x1xf32>,
    %get3A_191 = arith.constant 0 : index
    %get3A_192 = arith.constant 0 : index
    %get3A_193 = arith.constant 0 : index
    %get3A_194 = vector.load %arg4[%get3A_191, %get3A_192, %get3A_193] : memref<1x1x1024xf32, #tpu.memory_space<vmem>>, vector<1x1x1024xf32>
    %get3A_195 = vector.shape_cast %get3A_194 : vector<1x1x1024xf32> to vector<1x1024xf32>
    %transpose3A_196 = tpu.transpose %get3A_195, [1, 0] : vector<1x1024xf32> -> vector<1024x1xf32>
    %swap3A_197 = arith.constant 0 : index
    %swap3A_198 = arith.constant 0 : index
    %swap3A_199 = vector.load %arg12[%swap3A_197, %swap3A_198] : memref<1024x1xf32, #tpu.memory_space<vmem>>, vector<1024x1xf32>
    tpu.vector_store %arg12[%swap3A_197, %swap3A_198], %transpose3A_196 {strides = array<i32>} : memref<1024x1xf32, #tpu.memory_space<vmem>>, vector<1024x1xf32>,
    %get3A_200 = arith.constant 0 : index
    %get3A_201 = arith.constant 0 : index
    %get3A_202 = vector.load %arg11[%get3A_200, %get3A_201] : memref<1024x1xf32, #tpu.memory_space<vmem>>, vector<1024x1xf32>
    %get3A_203 = arith.constant 0 : index
    %get3A_204 = arith.constant 0 : index
    %get3A_205 = vector.load %arg12[%get3A_203, %get3A_204] : memref<1024x1xf32, #tpu.memory_space<vmem>>, vector<1024x1xf32>
    %get3A_206 = arith.constant 0 : index
    %get3A_207 = arith.constant 0 : index
    %get3A_208 = arith.constant 0 : index
    %get3A_209 = vector.load %arg1[%get3A_206, %get3A_207, %get3A_208] : memref<1x1x2048xf32, #tpu.memory_space<vmem>>, vector<1x1x2048xf32>
    %get3A_210 = vector.shape_cast %get3A_209 : vector<1x1x2048xf32> to vector<1x2048xf32>
    %get3A_211 = arith.constant 0 : index
    %get3A_212 = arith.constant 0 : index
    %get3A_213 = arith.constant 0 : index
    %get3A_214 = vector.load %arg2[%get3A_211, %get3A_212, %get3A_213] : memref<1x1x2048xf32, #tpu.memory_space<vmem>>, vector<1x1x2048xf32>
    %get3A_215 = vector.shape_cast %get3A_214 : vector<1x1x2048xf32> to vector<1x2048xf32>
    %sub3A_216 = vector.broadcast %get3A_202 : vector<1024x1xf32> to vector<1024x2048xf32>
    %sub3A_217 = vector.broadcast %get3A_210 : vector<1x2048xf32> to vector<1024x2048xf32>
    %sub3A_218 = arith.subf %sub3A_216, %sub3A_217 : vector<1024x2048xf32>
    %sub3A_219 = vector.broadcast %get3A_205 : vector<1024x1xf32> to vector<1024x2048xf32>
    %sub3A_220 = vector.broadcast %get3A_215 : vector<1x2048xf32> to vector<1024x2048xf32>
    %sub3A_221 = arith.subf %sub3A_219, %sub3A_220 : vector<1024x2048xf32>
    %mul3A_222 = arith.mulf %sub3A_218, %sub3A_218 : vector<1024x2048xf32>
    %mul3A_223 = arith.mulf %sub3A_221, %sub3A_221 : vector<1024x2048xf32>
    %add3A_224 = arith.addf %mul3A_222, %mul3A_223 : vector<1024x2048xf32>
    %reduce_min3A = arith.constant dense<0x7F800000> : vector<2048xf32>
    %reduce_min3A_225 = vector.multi_reduction <minimumf>, %add3A_224, %reduce_min3A [0] : vector<1024x2048xf32> to vector<2048xf32>
    %broadcast_in_dim3A_226 = vector.shape_cast %reduce_min3A_225 : vector<2048xf32> to vector<1x2048xf32>
    %iota3A = tpu.iota {dimensions = array<i32: 0>} : vector<1024x1xi32>
    %convert_element_type3A = arith.sitofp %iota3A : vector<1024x1xi32> to vector<1024x1xf32>
    %eq3A_227 = vector.broadcast %broadcast_in_dim3A_226 : vector<1x2048xf32> to vector<1024x2048xf32>
    %eq3A_228 = arith.cmpf oeq, %add3A_224, %eq3A_227 : vector<1024x2048xf32>
    %jit3A_229 = arith.constant 1.024000e+03 : f32
    %broadcast_in_dim3A_230 = vector.shape_cast %convert_element_type3A : vector<1024x1xf32> to vector<1024x1xf32>
    %broadcast_in_dim3A_231 = vector.broadcast %broadcast_in_dim3A_230 : vector<1024x1xf32> to vector<1024x2048xf32>
    %broadcast_in_dim3A_232 = vector.broadcast %jit3A_229 : f32 to vector<1024x2048xf32>
    %select_n3A_233 = arith.select %eq3A_228, %broadcast_in_dim3A_231, %broadcast_in_dim3A_232 : vector<1024x2048xi1>, vector<1024x2048xf32>
    %reduce_min3A_234 = arith.constant dense<0x7F800000> : vector<2048xf32>
    %reduce_min3A_235 = vector.multi_reduction <minimumf>, %select_n3A_233, %reduce_min3A_234 [0] : vector<1024x2048xf32> to vector<2048xf32>
    %broadcast_in_dim3A_236 = vector.shape_cast %reduce_min3A_235 : vector<2048xf32> to vector<1x2048xf32>
    %convert_element_type3A_237 = arith.fptosi %broadcast_in_dim3A_236 : vector<1x2048xf32> to vector<1x2048xi32>
    %mul3A_238 = arith.constant 1024 : i32
    %mul3A_239 = arith.muli %arg0, %mul3A_238 : i32
    %add3A_240 = vector.broadcast %mul3A_239 : i32 to vector<1x2048xi32>
    %add3A_241 = arith.addi %convert_element_type3A_237, %add3A_240 : vector<1x2048xi32>
    %squeeze3A_242 = vector.shape_cast %add3A_241 : vector<1x2048xi32> to vector<2048xi32>
    %swap3A_243 = arith.constant 0 : index
    %swap3A_244 = vector.load %arg9[%swap3A_243] : memref<2048xi32, #tpu.memory_space<vmem>>, vector<2048xi32>
    tpu.vector_store %arg9[%swap3A_243], %squeeze3A_242 {strides = array<i32>} : memref<2048xi32, #tpu.memory_space<vmem>>, vector<2048xi32>,
    %add3A_245 = arith.constant 9.99999996E-13 : f32
    %add3A_246 = vector.broadcast %add3A_245 : f32 to vector<1x2048xf32>
    %add3A_247 = arith.addf %broadcast_in_dim3A_226, %add3A_246 : vector<1x2048xf32>
    %sqrt3A = math.sqrt %add3A_247 : vector<1x2048xf32>
    %mul3A_248 = arith.constant 0.333333343 : f32
    %mul3A_249 = vector.broadcast %mul3A_248 : f32 to vector<1x2048xf32>
    %mul3A_250 = arith.mulf %sqrt3A, %mul3A_249 : vector<1x2048xf32>
    %get3A_251 = arith.constant 0 : index
    %get3A_252 = arith.constant 0 : index
    %get3A_253 = memref.load %arg6[%get3A_251, %get3A_252] : memref<1x3xf32, #tpu.memory_space<smem>>
    %get3A_254 = arith.constant 0 : index
    %get3A_255 = arith.constant 1 : index
    %get3A_256 = memref.load %arg6[%get3A_254, %get3A_255] : memref<1x3xf32, #tpu.memory_space<smem>>
    %get3A_257 = arith.constant 0 : index
    %get3A_258 = arith.constant 2 : index
    %get3A_259 = memref.load %arg6[%get3A_257, %get3A_258] : memref<1x3xf32, #tpu.memory_space<smem>>
    %get3A_260 = arith.constant 0 : index
    %get3A_261 = arith.constant 0 : index
    %get3A_262 = arith.constant 0 : index
    %get3A_263 = vector.load %arg5[%get3A_260, %get3A_261, %get3A_262] : memref<1x1x2048xf32, #tpu.memory_space<vmem>>, vector<1x1x2048xf32>
    %get3A_264 = vector.shape_cast %get3A_263 : vector<1x1x2048xf32> to vector<1x2048xf32>
    %mul3A_265 = vector.broadcast %get3A_253 : f32 to vector<1x2048xf32>
    %mul3A_266 = arith.mulf %mul3A_250, %mul3A_265 : vector<1x2048xf32>
    %mul3A_267 = arith.mulf %mul3A_266, %get3A_264 : vector<1x2048xf32>
    %add3A_268 = vector.broadcast %get3A_259 : f32 to vector<1x2048xf32>
    %add3A_269 = arith.addf %mul3A_267, %add3A_268 : vector<1x2048xf32>
    %squeeze3A_270 = vector.shape_cast %add3A_269 : vector<1x2048xf32> to vector<2048xf32>
    %swap3A_271 = arith.constant 0 : index
    %swap3A_272 = vector.load %arg7[%swap3A_271] : memref<2048xf32, #tpu.memory_space<vmem>>, vector<2048xf32>
    tpu.vector_store %arg7[%swap3A_271], %squeeze3A_270 {strides = array<i32>} : memref<2048xf32, #tpu.memory_space<vmem>>, vector<2048xf32>,
    %mul3A_273 = vector.broadcast %get3A_256 : f32 to vector<1x2048xf32>
    %mul3A_274 = arith.mulf %mul3A_273, %get3A_264 : vector<1x2048xf32>
    %squeeze3A_275 = vector.shape_cast %mul3A_274 : vector<1x2048xf32> to vector<2048xf32>
    %swap3A_276 = arith.constant 0 : index
    %swap3A_277 = vector.load %arg8[%swap3A_276] : memref<2048xf32, #tpu.memory_space<vmem>>, vector<2048xf32>
    tpu.vector_store %arg8[%swap3A_276], %squeeze3A_275 {strides = array<i32>} : memref<2048xf32, #tpu.memory_space<vmem>>, vector<2048xf32>,
    return
  }
  func.func @transform_0(%arg0: i32) -> (i32, i32, i32) {
    %c0_i32 = arith.constant 0 : i32
    %c0_i32_0 = arith.constant 0 : i32
    %c0_i32_1 = arith.constant 0 : i32
    return %arg0, %c0_i32, %c0_i32_0 : i32, i32, i32
  }
  func.func @transform_1(%arg0: i32) -> (i32, i32, i32) {
    %c0_i32 = arith.constant 0 : i32
    %c0_i32_0 = arith.constant 0 : i32
    %c0_i32_1 = arith.constant 0 : i32
    return %arg0, %c0_i32, %c0_i32_0 : i32, i32, i32
  }
  func.func @transform_2(%arg0: i32) -> (i32, i32, i32) {
    %c0_i32 = arith.constant 0 : i32
    %c0_i32_0 = arith.constant 0 : i32
    %c0_i32_1 = arith.constant 0 : i32
    return %arg0, %c0_i32, %c0_i32_0 : i32, i32, i32
  }
  func.func @transform_3(%arg0: i32) -> (i32, i32, i32) {
    %c0_i32 = arith.constant 0 : i32
    %c0_i32_0 = arith.constant 0 : i32
    %c0_i32_1 = arith.constant 0 : i32
    return %arg0, %c0_i32, %c0_i32_0 : i32, i32, i32
  }
  func.func @transform_4(%arg0: i32) -> (i32, i32, i32) {
    %c0_i32 = arith.constant 0 : i32
    %c0_i32_0 = arith.constant 0 : i32
    %c0_i32_1 = arith.constant 0 : i32
    return %arg0, %c0_i32, %c0_i32_0 : i32, i32, i32
  }
  func.func @transform_5(%arg0: i32) -> (i32, i32) {
    %c0_i32 = arith.constant 0 : i32
    %c0_i32_0 = arith.constant 0 : i32
    %c0_i32_1 = arith.constant 0 : i32
    return %c0_i32, %c0_i32_0 : i32, i32
  }
  func.func @transform_6(%arg0: i32) -> i32 {
    %c0_i32 = arith.constant 0 : i32
    return %arg0 : i32
  }
  func.func @transform_7(%arg0: i32) -> i32 {
    %c0_i32 = arith.constant 0 : i32
    return %arg0 : i32
  }
  func.func @transform_8(%arg0: i32) -> i32 {
    %c0_i32 = arith.constant 0 : i32
    return %arg0 : i32
  }
  func.func @transform_9(%arg0: i32) -> i32 {
    %c0_i32 = arith.constant 0 : i32
    return %arg0 : i32
  }
}

</mosaic_0001>

<sc_bundles>
// kernel: kernel.4.cloned.1.call-start
scs
__scs_entry_jumppad:
0x0: {  	(pc) =	sbr.rel $0x88, $3  }
0x1: {  	(tag) =	ssettag $0x0;
	lr =	simm.s32 $0x1  }
0x2: {  	[smem:$0x3F9C] =	sst lr;
	_ =	strace $0xD0000000  }
0x3: {  	_ = 	snop  }
0x4: {  	_ = 	snop  }
0x5: {  	_ = 	snop  }
0x6: {  	_ = 	snop  }
0x7: {  	_ = 	snop  }
__scs_overlays_trampoline_lowered:
0x8: {  	[smem:$0x3FAB] =	sst s0  }
0x9: {  	[smem:$0x3FAC] =	sst s1  }
0xa: {  	[smem:$0x3FAD] =	sst s2  }
0xb: {  	[smem:$0x3FAE] =	sst s3  }
0xc: {  	[smem:$0x3FAF] =	sst s4  }
0xd: {  	[smem:$0x3FB0] =	sst s5  }
0xe: {  	[smem:$0x3FB1] =	sst s6  }
0xf: {  	[smem:$0x3FB2] =	sst s7  }
0x10: {  	[smem:$0x3FB3] =	sst s8  }
0x11: {  	[smem:$0x3FB4] =	sst s9;
	s0 =	simm.s32 @!p0 $0x0  }
0x12: {  	s1 =	sld [smem:$0x3F9A];
	s0 =	simm.s32 @p0 $0x1  }
0x13: {  	[smem:$0x3FB5] =	sst s0;
	s0 =	simm.s32 @!p1 $0x0  }
0x14: {  	s2 =	sld [smem:$0x3F99];
	s0 =	simm.s32 @p1 $0x1  }
0x15: {  	[smem:$0x3FB6] =	sst s0;
	s0 =	simm.s32 @!p2 $0x0  }
0x16: {  	s3 =	sld [smem:$0x3FDB];
	s0 =	simm.s32 @p2 $0x1  }
0x17: {  	s4 =	simm.s32 $0x1BF5;
	[smem:$0x3FB8] =	sst s0  }
0x18: {  	s0 =	sld [smem:$0x3F9B];
	_ =	swait.ge [sflag:s4], $0x0  }
0x19: {  	s7 =	sld [smem:$0x3F9C]  }
0x1a: {  	s8 =	sadd.s32 $0xFFFFE003, lr  }
0x1b: {  	s9 =	sadd.s32 $0xFFFFFEF7, lr;
	s5 =	simm.s32 $0xFFFFFFFF;
	p2 =	slt.u32 s8, $0xFFFFF086  }
0x1c: {  	p1 =	slt.u32 s9, $0xF7A;
	s5 =	simm.s32 @!p2 $0x0  }
0x1d: {  	s5 =	simm.s32 @p1 $0x1;
	p0 =	seq.s32 s7, s2  }
0x1e: {  	s7 =	smul.u32 @!p0 $0xF7A, s2;
	p2 =	seq.s32 @!p0 s5, $0x0  }
0x1f: {  	s9 =	smul.u32 $0xF7A, s1;
	s8 =	simm.s32 @!p0 $0x1BF5;
	p2 =	por !p2, p0  }
0x20: {  	[sflag:s8] =	ssyncset.s32 @!p0 $0xFFFFF086;
	s6 =	sadd.s32 @!p0 s3, s7;
	s7 =	simm.s32 @!p0 $0x108  }
0x21: {  	s3 =	sadd.s32 s3, s9;
	s6 =	sadd.s32 @!p0 $0x88, s6;
	s7 =	simm.s32 @p2 $0x1082  }
0x22: {  	[simem:s7], [sflag:s8] =	dma.local @!p0 [hbm:s6], $0xF7A  }
0x23: {  	s9 =	sor.u32 $0xD0000000, s2;
	s6 =	simm.s32 $0x108;
	_ =	swait.ge @!p0 [sflag:s8], $0x0  }
0x24: {  	s3 =	sadd.s32 $0x88, s3;
	s6 =	simm.s32 @!p1 $0x1082;
	[sflag:s4] =	ssyncset.s32 $0xFFFFF086  }
0x25: {  	[simem:s6], [sflag:s4] =	dma.local [hbm:s3], $0xF7A  }
0x26: {  	[smem:$0x3F9C] =	sst s1;
	(tag) =	ssettag s2;
	_ =	strace s9  }
0x27: {  	s1 =	sld [smem:$0x3FAC]  }
0x28: {  	s2 =	sld [smem:$0x3FAD]  }
0x29: {  	s4 =	sld [smem:$0x3FAF]  }
0x2a: {  	p0 =	seq.s32 s5, $0x0;
	s5 =	sld [smem:$0x3FB0]  }
0x2b: {  	s6 =	sld [smem:$0x3FB1]  }
0x2c: {  	s7 =	sld [smem:$0x3FB2]  }
0x2d: {  	s3 =	simm.s32 $0x108;
	s8 =	sld [smem:$0x3FB3]  }
0x2e: {  	s3 =	simm.s32 @!p0 $0x1082;
	s9 =	sld [smem:$0x3FB4]  }
0x2f: {  	lr =	sadd.s32 s0, s3;
	s0 =	sld [smem:$0x3FAB]  }
0x30: {  	s3 =	sld [smem:$0x3FAE]  }
0x31: {  	[smem:$0x3FB7] =	sst s10  }
0x32: {  	s10 =	sld [smem:$0x3FB5];
	_ =	sdelay $0x3  }
0x33: {  	p0 =	seq.s32 s10, $0x1;
	s10 =	sld [smem:$0x3FB7];
	_ =	sdelay $0x3  }
0x34: {  	[smem:$0x3FB7] =	sst s10  }
0x35: {  	s10 =	sld [smem:$0x3FB6];
	_ =	sdelay $0x3  }
0x36: {  	p1 =	seq.s32 s10, $0x1;
	s10 =	sld [smem:$0x3FB7];
	_ =	sdelay $0x3  }
0x37: {  	[smem:$0x3FB7] =	sst s10  }
0x38: {  	s10 =	sld [smem:$0x3FB8]  }
0x39: {  	_ = 	snop;
	(pc) =	sbr.ind lr, $3  }
0x3a: {  	_ = 	snop  }
0x3b: {  	_ = 	snop  }
0x3c: {  	p2 =	seq.s32 s10, $0x1;
	s10 =	sld [smem:$0x3FB7]  }
0x3d: {  	_ =	shalt  }
0x3e: {  	_ =	shalt  }
0x3f: {  	_ =	shalt  }
0x40: {  	_ =	shalt  }
0x41: {  	_ =	shalt  }
0x42: {  	_ =	shalt  }
0x43: {  	_ =	shalt  }
0x44: {  	_ =	shalt  }
0x45: {  	_ =	shalt  }
0x46: {  	_ =	shalt  }
0x47: {  	_ =	shalt  }
0x48: {  	_ =	shalt  }
0x49: {  	_ =	shalt  }
0x4a: {  	_ =	shalt  }
0x4b: {  	_ =	shalt  }
0x4c: {  	_ =	shalt  }
0x4d: {  	_ =	shalt  }
0x4e: {  	_ =	shalt  }
0x4f: {  	_ =	shalt  }
0x50: {  	_ =	shalt  }
0x51: {  	_ =	shalt  }
0x52: {  	_ =	shalt  }
0x53: {  	_ =	shalt  }
0x54: {  	_ =	shalt  }
0x55: {  	_ =	shalt  }
0x56: {  	_ =	shalt  }
0x57: {  	_ =	shalt  }
0x58: {  	_ =	shalt  }
0x59: {  	_ =	shalt  }
0x5a: {  	_ =	shalt  }
0x5b: {  	_ =	shalt  }
0x5c: {  	_ =	shalt  }
0x5d: {  	_ =	shalt  }
0x5e: {  	_ =	shalt  }
0x5f: {  	_ =	shalt  }
0x60: {  	_ =	shalt  }
0x61: {  	_ =	shalt  }
0x62: {  	_ =	shalt  }
0x63: {  	_ =	shalt  }
0x64: {  	_ =	shalt  }
0x65: {  	_ =	shalt  }
0x66: {  	_ =	shalt  }
0x67: {  	_ =	shalt  }
0x68: {  	_ =	shalt  }
0x69: {  	_ =	shalt  }
0x6a: {  	_ =	shalt  }
0x6b: {  	_ =	shalt  }
0x6c: {  	_ =	shalt  }
0x6d: {  	_ =	shalt  }
0x6e: {  	_ =	shalt  }
0x6f: {  	_ =	shalt  }
0x70: {  	_ =	shalt  }
0x71: {  	_ =	shalt  }
0x72: {  	_ =	shalt  }
0x73: {  	_ =	shalt  }
0x74: {  	_ =	shalt  }
0x75: {  	_ =	shalt  }
0x76: {  	_ =	shalt  }
0x77: {  	_ =	shalt  }
0x78: {  	_ =	shalt  }
0x79: {  	_ =	shalt  }
0x7a: {  	_ =	shalt  }
0x7b: {  	_ =	shalt  }
0x7c: {  	_ =	shalt  }
0x7d: {  	_ =	shalt  }
0x7e: {  	_ =	shalt  }
0x7f: {  	_ =	shalt  }
0x80: {  	_ =	shalt  }
0x81: {  	_ =	shalt  }
0x82: {  	_ =	shalt  }
0x83: {  	_ =	shalt  }
0x84: {  	_ =	shalt  }
0x85: {  	_ =	shalt  }
0x86: {  	_ =	shalt  }
0x87: {  	_ =	shalt  }
.Lfunc_end0:
.L_simem_size_0:
called_computation_lowered:
.L_overlay_start_0:
0x88: {  	s2 =	sld [smem:$0x3FD9]  }
0x89: {  	s3 =	sld [smem:$0x3FFE];
	_ =	sdelay $0x1  }
0x8a: {  	s1 =	srdreg.scid  }
0x8b: {  	s0 =	sand.u32 $0x1, s1  }
0x8c: {  	s17 =	sshll.u32 s0, $0xA;
	s2 =	sadd.s32 s3, s2  }
0x8d: {  	s2 =	sadd.s32 s2, s17  }
0x8e: {  	[smem:$0x3FC3] =	sst s2  }
0x8f: {  	_ = 	snop  }
0x90: {  	s2 =	sld [smem:$0x3FD0];
	(tm) =	ssettm $0x1  }
0x91: {  	s18 =	sld [smem:$0x3FFB];
	_ =	sdelay $0x3  }
0x92: {  	_ =	strace s18  }
0x93: {  	s3 =	sld [smem:$0x3FFC];
	_ =	sdelay $0x3  }
0x94: {  	_ =	strace s3  }
0x95: {  	s3 =	sld [smem:$0x3FFD];
	_ =	sdelay $0x3  }
0x96: {  	_ =	strace s3  }
0x97: {  	_ =	strace $0x8FFFFFFF  }
0x98: {  	s19 =	sld [smem:$0x3FDB];
	_ =	sdelay $0x1  }
0x99: {  	s4 =	simm.s32 $_scs_section_size  }
0x9a: {  	s5 =	simm.s32 $_size__tile_overlayer_lowered;
	s6 =	simm.s32 $_tile_overlayer_lowered  }
0x9b: {  	s22 =	simm.s32 $0x1BFF;
	s21 =	sshll.u32 s6, $0x1;
	s3 =	sadd.s32 s4, s19  }
0x9c: {  	s7 =	simm.s32 $0x0;
	s20 =	sshll.u32 s5, $0x1;
	s5 =	sadd.s32 s21, s3  }
0x9d: {  	[timem:s7], [sflag:s22] =	dma.local [hbm:s5], s20  }
0x9e: {  	_ =	swait.ge [sflag:s22], s20  }
0x9f: {  	s4 =	ssub.s32 $0x0, s20;
	[sflag:s22] =	ssyncset.done $0x0  }
0xa0: {  	[sflag:s22] =	ssyncadd.s32 s4;
	_ =	sdelay $0x1  }
0xa1: {  	s23 =	simm.s32 $0x1B8B  }
0xa2: {  	_ =	swait.ge [sflag:s23], $0x1  }
0xa3: {  	[sflag:s23] =	ssyncset.done $0x0  }
0xa4: {  	s25 =	simm.s32 $0x1B8E;
	s24 =	sld [smem:$0x3FFE];
	[sflag:s23] =	ssyncadd.s32 $0xFFFFFFFF  }
0xa5: {  	s26 =	simm.s32 $execute0_lowered;
	[smem:$0x3FD2] =	sst s25  }
0xa6: {  	s5 =	sshll.u32 s26, $0x1;
	_ =	strace $0x80000046;
	[dreg:$0x1] =	wrdreg $0xFFFFFFFF  }
0xa7: {  	s28 =	simm.s32 $_size_execute0_lowered;
	s3 =	sadd.s32 s3, s5;
	[dreg:$0x0] =	wrdreg $0x0  }
0xa8: {  	s5 =	sshll.u32 s28, $0x1;
	[dreg:$0x2] =	wrdreg s3  }
0xa9: {  	[dreg:$0x3] =	wrdreg s5  }
0xaa: {  	[dreg:$0x4] =	wrdreg $0xC0  }
0xab: {  	_ =	task [dreg:s7], $0x5FFFF  }
0xac: {  	[dreg:$0x1] =	wrdreg $0xFFFFFFFF  }
0xad: {  	[dreg:$0x0] =	wrdreg $0x60  }
0xae: {  	[dreg:$0x2] =	wrdreg s24  }
0xaf: {  	[dreg:$0x3] =	wrdreg s2  }
0xb0: {  	[dreg:$0x4] =	wrdreg $0x9  }
0xb1: {  	_ =	task.clear_ibuf [dreg:s7], $0x5FFFF;
	_ =	strace $0x90000046  }
0xb2: {  	s29 =	simm.s32 $0x9;
	_ =	strace $0x80000048  }
0xb3: {  	_ =	swait.ge [sflag:s29], $0x1  }
0xb4: {  	[sflag:s29] =	ssyncadd.s32 $0xFFFFFFFF  }
0xb5: {  	_ =	strace $0x90000048  }
0xb6: {  	_ =	sfence  }
0xb7: {  	s30 =	sld [smem:$0x0];
	_ =	sdelay $0x2  }
0xb8: {  	s31 =	sshll.u32 s1, $0xD;
	s1 =	sshrl.u32 s1, $0x2  }
0xb9: {  	s3 =	sand.u32 $0x4000, s31;
	s1 =	sadd.s32 s1, s30  }
0xba: {  	s0 =	sor.u32 s3, s0;
	s1 =	sshll.u32 s1, $0x11  }
0xbb: {  	s0 =	sor.u32 s1, s0  }
0xbc: {  	s0 =	sadd.s32 $0x8F2B, s0  }
0xbd: {  	[sflag:s0] =	ssyncadd.remote.s32 $0x1  }
0xbe: {  	_ =	sfence.sel $0xFFFF  }
0xbf: {  	[dreg:$0x0] =	wrdreg $0xFFFFFFFF;
	(pc) =	sbr.abs _section_cstart, $3  }
0xc0: {  	[dreg:$0x1] =	wrdreg $0xFFFFFFFF  }
0xc1: {  	_ =	task.clear_ibuf [dreg:s7], $0x2FFFF;
	_ =	strace $0x9FFFFFFF  }
0xc2: {  	(tm) =	ssettm $0x7FFFFFFF  }
0xc3: {  	_ =	shalt  }
tec
execute0_lowered:
.L_overlay_start_1:
0x0: {  	(tag) =	ssettag $0x1  }
0x1: {  	s4 =	rddreg [dreg:$0x0]  }
0x2: {  	s5 =	rddreg [dreg:$0x1]  }
0x3: {  	s0 =	rddreg [dreg:$0x2];
	s2 =	simm.s32 $0x0;
	s3 =	srdreg.scid  }
0x4: {  	s1 =	stileid.u32;
	s10 =	simm.s32 $0x400;
	s11 =	simm.s32 $0x1  }
0x5: {  	s12 =	simm.s32 $0x800;
	s13 =	simm.s32 $0xC00;
	s14 =	simm.s32 $0x1000  }
0x6: {  	s15 =	simm.s32 $0x0;
	[smem:$0x7FF] =	sst s2;
	s3 =	sand.u32 $0x1, s3  }
0x7: {  	s6 =	sshll.u32 s1, $0x8;
	s7 =	sshll.u32 s3, $0x7;
	s8 =	ssub.s32 $0x2, s3  }
0x8: {  	_ =	strace $0x80000047;
	s6 =	sor.u32 s7, s6;
	s31 =	sshrl.u32 s8, $0x1  }
0x9: {  	s3 =	sadd.s32 $0x3800, s4;
	s9 =	sadd.s32 s6, s4;
	s8 =	ssub.s32 s8, s31  }
0xa: {  	s4 =	sadd.s32 s5, s6;
	s5 =	sadd.s32 $0x1800, s9;
	s6 =	sadd.s32 $0x2800, s9  }
0xb: {  	s7 =	sadd.s32 $0x4000, s9;
	s8 =	smax.u32 s8, $0x1;
	s9 =	simm.s32 $0x2  }
.LBB2_1:
0xc: {  	[tilespmem:s2], [sflag:$0x2] =	stream.linear.gather [hbm4b:s4+s2], $0x400, $0x38;
	[tilespmem:$0x1400] =	vst v63  }
0xd: {  	_ =	swait.ge [sflag:s9], $0x400  }
0xe: {  	[sflag:s9] =	ssyncset.done $0x0  }
0xf: {  	[sflag:s9] =	ssyncadd.s32 $0xFFFFFC00  }
0x10: {  	[tilespmem:s10], [sflag:$0x1] =	stream.indirect.gather [hbm4b:s3+s10], $0x1, s2, s10, $0xb8;
	[tilespmem:$0x1400] =	vst v63  }
0x11: {  	_ =	swait.ge [sflag:s11], $0x400  }
0x12: {  	[sflag:s11] =	ssyncset.done $0x0  }
0x13: {  	[sflag:s11] =	ssyncadd.s32 $0xFFFFFC00  }
0x14: {  	[tilespmem:s12], [sflag:$0x2] =	stream.linear.gather [hbm4b:s5+s2], $0x400, $0x38;
	[tilespmem:$0x1400] =	vst v63  }
0x15: {  	_ =	swait.ge [sflag:s9], $0x400  }
0x16: {  	[sflag:s9] =	ssyncset.done $0x0  }
0x17: {  	[sflag:s9] =	ssyncadd.s32 $0xFFFFFC00  }
0x18: {  	[tilespmem:s13], [sflag:$0x2] =	stream.linear.gather [hbm4b:s6+s2], $0x400, $0x38;
	[tilespmem:$0x1400] =	vst v63  }
0x19: {  	_ =	swait.ge [sflag:s9], $0x400  }
0x1a: {  	[sflag:s9] =	ssyncset.done $0x0  }
0x1b: {  	s16 =	simm.s32 $0x0;
	[sflag:s9] =	ssyncadd.s32 $0xFFFFFC00  }
0x1c: {  	v0 =	vld [tilespmem:s16+$0x400]  }
0x1d: {  	v1 =	vld [tilespmem:s16+$0xC00];
	_ =	sdelay $0x1  }
0x1e: {  	v2 =	vld [tilespmem:s16+$0x800]  }
0x1f: {  	s17 =	simm.s32 $0x40  }
.LBB2_2:
0x20: {  	s18 =	sshra.s32 s17, $0x2;
	p0 =	sne.s32 s17, $0xFC0  }
.Ltmp0:
0x21: {  	s17 =	sadd.s32 $0x40, s17;
	v3 =	vmul.f32 v1, v0;
	v0 =	vld [tilespmem:s18+$0x400];
	(pc) =	sbr.rel @p0 .LBB2_2-.Ltmp0, $4  }
0x22: {  	v1 =	vld [tilespmem:s18+$0xC00]  }
0x23: {  	v3 =	vadd.f32 v3, v2  }
0x24: {  	v2 =	vld [tilespmem:s18+$0x800]  }
0x25: {  	[tilespmem:s16+$0x1000] =	vst v3;
	s16 =	smov.u32 s18  }
0x26: {  	_ = 	snop  }
0x27: {  	v0 =	vmul.f32 v1, v0;
	_ =	sdelay $0x1  }
0x28: {  	s15 =	sadd.s32 $0x1, s15;
	v0 =	vadd.f32 v0, v2  }
0x29: {  	p0 =	sne.s32 s15, s8  }
.Ltmp1:
0x2a: {  	[tilespmem:s16+$0x1000] =	vst v0;
	(pc) =	sbr.rel @p0 .LBB2_1-.Ltmp1, $4  }
0x2b: {  	[hbm4b:s7+s2] =	stream.linear.scatter [tilespmem:s14], [sflag:$0x2], $0x400, $0x38;
	[tilespmem:$0x1400] =	vst v63  }
0x2c: {  	_ =	swait.ge [sflag:s9], $0x400  }
0x2d: {  	[sflag:s9] =	ssyncset.done $0x0  }
0x2e: {  	[sflag:s9] =	ssyncadd.s32 $0xFFFFFC00  }
0x2f: {  	_ =	sfence.sel $0x180000  }
0x30: {  	[bflag:$0x0] =	sbarrier.arrive $0xFFFF  }
0x31: {  	p0 =	sne.s32 s1, $0x0;
	_ =	strace $0x90000047  }
0x32: {  	s0 =	sadd.s32 @!p0 $0x100000, s0;
	[bflag:$0x2] =	sbarrier.arrive $0xFFFF  }
0x33: {  	[sflag:s0] =	ssyncadd.tile.s32 @!p0 $0x1;
	_ =	shalt  }
.Lfunc_end2:
_tile_overlayer_lowered:
.L_overlay_start_2:
0x34: {  	(tag) =	ssettag $0x2  }
0x35: {  	s0 =	rddreg [dreg:$0x0];
	s2 =	stileid.u32  }
0x36: {  	s1 =	rddreg [dreg:$0x1];
	p0 =	sne.s32 s2, $0x0  }
0x37: {  	s3 =	rddreg [dreg:$0x2];
	[bflag:$0x3] =	sbarrier.arrive $0xFFFF;
	s2 =	simm.s32 @!p0 $0x1C02  }
0x38: {  	[timem:s3], [sflag:s2] =	dma.local @!p0 [hbm:s0], s1  }
0x39: {  	s0 =	simm.s32 @!p0 $0x2  }
0x3a: {  	_ =	swait.ge @!p0 [sflag:s0], s1  }
0x3b: {  	s1 =	ssub.s32 @!p0 $0x0, s1;
	[sflag:s0] =	ssyncset.done @!p0 $0x0  }
0x3c: {  	[sflag:s0] =	ssyncadd.s32 @!p0 s1  }
0x3d: {  	[bflag:$0x3] =	sbarrier.arrive $0xFFFF  }
0x3e: {  	_ =	shalt  }

</sc_bundles>
